<compile_context>
chip_gen: v7x
topology: tpu7x:2x2x1
jax: 0.10.2.dev20260603
libtpu: 0.0.44.dev20260713+nightly
codegen_flags: <defaults>
</compile_context>

<pallas_src>
import functools

import jax
import jax.numpy as jnp
from jax import lax
from jax.experimental import pallas as pl
from jax.experimental.pallas import tpu as pltpu
from jax.experimental.pallas import tpu_sc as plsc

VOCAB = 28996
DIM = 768
NUM_WORKERS = 32
T_LEN = 20
B_LEN = 4096
B_TOTAL = B_LEN * T_LEN
COLS = B_LEN // NUM_WORKERS
CHUNK = 64
N_CHUNKS = T_LEN * COLS // CHUNK
N_PAIRS = N_CHUNKS // 2

_mesh = plsc.VectorSubcoreMesh(core_axis_name="c", subcore_axis_name="s")


@functools.partial(
    pl.kernel,
    mesh=_mesh,
    out_type=jax.ShapeDtypeStruct((B_TOTAL, DIM), jnp.float32),
    scratch_types=[
        pltpu.VMEM((T_LEN, COLS), jnp.int32),
        pltpu.VMEM((CHUNK, DIM), jnp.float32),
        pltpu.VMEM((CHUNK, DIM), jnp.float32),
        pltpu.SemaphoreType.DMA,
        pltpu.SemaphoreType.DMA,
        pltpu.SemaphoreType.DMA,
        pltpu.SemaphoreType.DMA,
    ],
)
def _gather_kernel(ids_hbm, table_hbm, out_hbm, idx_v, rows0, rows1,
                   gsem0, gsem1, ssem0, ssem1):
    wid = lax.axis_index("s") * 2 + lax.axis_index("c")
    col0 = wid * COLS
    pltpu.sync_copy(ids_hbm.at[:, pl.ds(col0, COLS)], idx_v)

    rows = (rows0, rows1)
    gsem = (gsem0, gsem1)
    ssem = (ssem0, ssem1)

    def idx_slice(t, h):
        return idx_v.at[t, pl.ds(h * CHUNK, CHUNK)]

    def out_slice(t, h):
        return out_hbm.at[pl.ds(t * B_LEN + col0 + h * CHUNK, CHUNK)]

    def start_gather(t, h):
        pltpu.async_copy(table_hbm.at[idx_slice(t, h)], rows[h], gsem[h])

    def wait_gather(t, h):
        pltpu.make_async_copy(
            table_hbm.at[idx_slice(t, h)], rows[h], gsem[h]
        ).wait()

    def start_scatter(t, h):
        pltpu.async_copy(rows[h], out_slice(t, h), ssem[h])

    def wait_scatter(t, h):
        pltpu.make_async_copy(rows[h], out_slice(t, h), ssem[h]).wait()

    start_gather(0, 0)
    start_gather(0, 1)

    def body(t, carry):
        for h in range(2):
            wait_gather(t, h)
            start_scatter(t, h)

            @pl.when(t < N_PAIRS - 1)
            def _():
                wait_scatter(t, h)
                start_gather(t + 1, h)

        return carry

    lax.fori_loop(0, N_PAIRS, body, 0)
    wait_scatter(N_PAIRS - 1, 0)
    wait_scatter(N_PAIRS - 1, 1)


def kernel(input_ids, embeddings):
    b, t = input_ids.shape
    ids2 = input_ids.T.astype(jnp.int32)
    out = _gather_kernel(ids2, embeddings)
    return out.reshape(t, b, DIM).transpose(1, 0, 2)

# --- scband reference (transcript-rebuilt; emitter-appended) ---
"""Pipeline reference for scband-encoder-59914793779438 (READ-ONLY COPY).

The authoritative reference and input builder live on the scoring server;
editing this copy changes nothing except your own understanding.
"""

import jax, jax.numpy as jnp
import numpy as np

VOCAB = 28996  # bert-base-cased vocab size
DIM = 768      # bert-base-cased hidden size


def setup_inputs(seed: int = 0) -> dict:
    key = jax.random.key(seed)
    k_emb, k_ids = jax.random.split(key)
    # Pretrained word embedding table stand-in
    embeddings = jax.random.normal(k_emb, (VOCAB, DIM), dtype=jnp.float32)
    # __init__-time preprocessing: normalize using statistics over 'used' ids.
    # We treat all ids as used (the [unused###] filtering is a tokenizer detail);
    # emb_statistics_agg_type='features' -> dim=0, keepdim=True.
    emb_mean = jnp.mean(embeddings, axis=0, keepdims=True)
    emb_std = jnp.std(embeddings, axis=0, keepdims=True, ddof=1)  # torch.std is unbiased
    embeddings = (embeddings - emb_mean) / emb_std
    input_ids = jax.random.randint(k_ids, (4096, 20), 0, VOCAB, dtype=jnp.int64 if jax.config.jax_enable_x64 else jnp.int32)
    return {"input_ids": input_ids, "embeddings": embeddings}


def reference(input_ids, embeddings):
    # forward: self.embeddings[input_ids]
    return jnp.take(embeddings, input_ids, axis=0)

if __name__ == "__main__":
    import jax
    _d = setup_inputs()
    print(jax.jit(kernel)(*tuple(_d.values())))

</pallas_src>

<mosaic_0001>
#map = affine_map<(d0, d1) -> (0, 0)>
module attributes {stable_mosaic.version = 14 : i64} {
  func.func @_gather_kernel(%arg0: i32, %arg1: i32, %arg2: memref<20x4096xi32, #tpu.memory_space<hbm>>, %arg3: memref<28996x768xf32, #tpu.memory_space<hbm>>, %arg4: memref<81920x768xf32, #tpu.memory_space<hbm>>, %arg5: memref<20x128xi32, #tpu.memory_space<vmem>>, %arg6: memref<64x768xf32, #tpu.memory_space<vmem>>, %arg7: memref<64x768xf32, #tpu.memory_space<vmem>>, %arg8: memref<!tpu.dma_semaphore, #tpu.memory_space<semaphore_mem>>, %arg9: memref<!tpu.dma_semaphore, #tpu.memory_space<semaphore_mem>>, %arg10: memref<!tpu.dma_semaphore, #tpu.memory_space<semaphore_mem>>, %arg11: memref<!tpu.dma_semaphore, #tpu.memory_space<semaphore_mem>>) attributes {dimension_semantics = [#tpu.dimension_semantics<core_parallel>, #tpu.dimension_semantics<subcore_parallel>], iteration_bounds = array<i64: 2, 16>, scalar_prefetch = 0 : i64, scratch_operands = 7 : i64, tpu.core_type = #tpu.core_type<sc_vector_subcore>, window_params = [{transform_indices = #map}, {transform_indices = #map}, {transform_indices = #map}]} {
    %mul3A = arith.constant 2 : i32
    %mul3A_0 = arith.muli %arg1, %mul3A : i32
    %add3A = arith.addi %mul3A_0, %arg0 : i32
    %mul3A_1 = arith.constant 128 : i32
    %mul3A_2 = arith.muli %add3A, %mul3A_1 : i32
    "tpu.region"() ({
      %run_scoped3A = tpu.sem_alloc : memref<!tpu.dma_semaphore, #tpu.memory_space<semaphore_mem>>
      %dma_start3A_36 = arith.constant 0 : i32
      %dma_start3A_37 = tpu.memref_slice %arg2[%dma_start3A_36, %mul3A_2] : memref<20x4096xi32, #tpu.memory_space<hbm>> -> memref<20x128xi32, #tpu.memory_space<hbm>>
      %dma_start3A_38 = arith.constant 0 : i32
      %dma_start3A_39 = tpu.memref_slice %arg2[%dma_start3A_38, %mul3A_2] : memref<20x4096xi32, #tpu.memory_space<hbm>> -> memref<20x128xi32, #tpu.memory_space<hbm>>
      tpu.enqueue_dma source(%dma_start3A_39 : memref<20x128xi32, #tpu.memory_space<hbm>>) target(%arg5 : memref<20x128xi32, #tpu.memory_space<vmem>>) target_semaphore(%run_scoped3A : memref<!tpu.dma_semaphore, #tpu.memory_space<semaphore_mem>>)
      %dma_wait3A_40 = arith.constant 0 : i32
      %dma_wait3A_41 = tpu.memref_slice %arg2[%dma_wait3A_40, %mul3A_2] : memref<20x4096xi32, #tpu.memory_space<hbm>> -> memref<20x128xi32, #tpu.memory_space<hbm>>
      %dma_wait3A_42 = arith.constant 0 : i32
      %dma_wait3A_43 = tpu.memref_slice %arg2[%dma_wait3A_42, %mul3A_2] : memref<20x4096xi32, #tpu.memory_space<hbm>> -> memref<20x128xi32, #tpu.memory_space<hbm>>
      tpu.wait_dma2 semaphore(%run_scoped3A : memref<!tpu.dma_semaphore, #tpu.memory_space<semaphore_mem>>) src(%dma_wait3A_43 : memref<20x128xi32, #tpu.memory_space<hbm>>) dst(%arg5 : memref<20x128xi32, #tpu.memory_space<vmem>>)
      tpu.yield
    }) : () -> ()
    %dma_start3A = arith.constant 0 : i32
    %dma_start3A_3 = arith.constant 0 : i32
    %dma_start3A_4 = tpu.memref_slice %arg5[%dma_start3A, %dma_start3A_3] : memref<20x128xi32, #tpu.memory_space<vmem>> -> memref<1x64xi32, #tpu.memory_space<vmem>>
    %dma_start3A_5 = tpu.memref_squeeze %dma_start3A_4 : memref<1x64xi32, #tpu.memory_space<vmem>> -> memref<64xi32, #tpu.memory_space<vmem>>
    %dma_start3A_6 = arith.constant 0 : i32
    %dma_start3A_7 = arith.constant 0 : i32
    %dma_start3A_8 = tpu.memref_slice %arg3[%dma_start3A_6, %dma_start3A_7] : memref<28996x768xf32, #tpu.memory_space<hbm>> -> memref<28996x768xf32, #tpu.memory_space<hbm>>
    tpu.enqueue_indirect_dma source(%dma_start3A_8 : memref<28996x768xf32, #tpu.memory_space<hbm>>) target(%arg6 : memref<64x768xf32, #tpu.memory_space<vmem>>) offsets(%dma_start3A_5 : memref<64xi32, #tpu.memory_space<vmem>>) semaphore(%arg8 : memref<!tpu.dma_semaphore, #tpu.memory_space<semaphore_mem>>)
    %dma_start3A_9 = arith.constant 0 : i32
    %dma_start3A_10 = arith.constant 64 : i32
    %dma_start3A_11 = tpu.memref_slice %arg5[%dma_start3A_9, %dma_start3A_10] : memref<20x128xi32, #tpu.memory_space<vmem>> -> memref<1x64xi32, #tpu.memory_space<vmem>>
    %dma_start3A_12 = tpu.memref_squeeze %dma_start3A_11 : memref<1x64xi32, #tpu.memory_space<vmem>> -> memref<64xi32, #tpu.memory_space<vmem>>
    %dma_start3A_13 = arith.constant 0 : i32
    %dma_start3A_14 = arith.constant 0 : i32
    %dma_start3A_15 = tpu.memref_slice %arg3[%dma_start3A_13, %dma_start3A_14] : memref<28996x768xf32, #tpu.memory_space<hbm>> -> memref<28996x768xf32, #tpu.memory_space<hbm>>
    tpu.enqueue_indirect_dma source(%dma_start3A_15 : memref<28996x768xf32, #tpu.memory_space<hbm>>) target(%arg7 : memref<64x768xf32, #tpu.memory_space<vmem>>) offsets(%dma_start3A_12 : memref<64xi32, #tpu.memory_space<vmem>>) semaphore(%arg9 : memref<!tpu.dma_semaphore, #tpu.memory_space<semaphore_mem>>)
    %scan3A = arith.constant 0 : i32
    %scan3A_16 = arith.constant 0 : i32
    %scan3A_17 = arith.constant 20 : i32
    %scan3A_18 = arith.addi %scan3A_16, %scan3A_17 : i32
    %scan3A_19 = arith.constant 1 : i32
    scf.for %scan3A_36 = %scan3A_16 to %scan3A_18 step %scan3A_19  : i32 {
      %dma_wait3A_37 = arith.constant 0 : i32
      %dma_wait3A_38 = tpu.memref_slice %arg5[%scan3A_36, %dma_wait3A_37] : memref<20x128xi32, #tpu.memory_space<vmem>> -> memref<1x64xi32, #tpu.memory_space<vmem>>
      %dma_wait3A_39 = tpu.memref_squeeze %dma_wait3A_38 : memref<1x64xi32, #tpu.memory_space<vmem>> -> memref<64xi32, #tpu.memory_space<vmem>>
      %dma_wait3A_40 = arith.constant 0 : i32
      %dma_wait3A_41 = arith.constant 0 : i32
      %dma_wait3A_42 = tpu.memref_slice %arg3[%dma_wait3A_40, %dma_wait3A_41] : memref<28996x768xf32, #tpu.memory_space<hbm>> -> memref<28996x768xf32, #tpu.memory_space<hbm>>
      tpu.wait_indirect_dma semaphore(%arg8 : memref<!tpu.dma_semaphore, #tpu.memory_space<semaphore_mem>>) src(%dma_wait3A_42 : memref<28996x768xf32, #tpu.memory_space<hbm>>) dst(%arg6 : memref<64x768xf32, #tpu.memory_space<vmem>>)
      %mul3A_43 = arith.constant 4096 : i32
      %mul3A_44 = arith.muli %scan3A_36, %mul3A_43 : i32
      %add3A_45 = arith.addi %mul3A_44, %mul3A_2 : i32
      %add3A_46 = arith.constant 0 : i32
      %add3A_47 = arith.addi %add3A_45, %add3A_46 : i32
      %dma_start3A_48 = arith.constant 0 : i32
      %dma_start3A_49 = tpu.memref_slice %arg4[%add3A_47, %dma_start3A_48] : memref<81920x768xf32, #tpu.memory_space<hbm>> -> memref<64x768xf32, #tpu.memory_space<hbm>>
      %dma_start3A_50 = arith.constant 0 : i32
      %dma_start3A_51 = tpu.memref_slice %arg4[%add3A_47, %dma_start3A_50] : memref<81920x768xf32, #tpu.memory_space<hbm>> -> memref<64x768xf32, #tpu.memory_space<hbm>>
      tpu.enqueue_dma source(%arg6 : memref<64x768xf32, #tpu.memory_space<vmem>>) target(%dma_start3A_51 : memref<64x768xf32, #tpu.memory_space<hbm>>) target_semaphore(%arg10 : memref<!tpu.dma_semaphore, #tpu.memory_space<semaphore_mem>>)
      %lt3A = arith.constant 19 : i32
      %lt3A_52 = arith.cmpi slt, %scan3A_36, %lt3A : i32
      %convert_element_type3A = arith.extui %lt3A_52 : i1 to i32
      %cond3A = arith.constant 0 : i32
      %cond3A_53 = arith.cmpi ne, %convert_element_type3A, %cond3A : i32
      scf.if %cond3A_53 {
        %mul3A_74 = arith.constant 4096 : i32
        %mul3A_75 = arith.muli %scan3A_36, %mul3A_74 : i32
        %add3A_76 = arith.addi %mul3A_75, %mul3A_2 : i32
        %add3A_77 = arith.constant 0 : i32
        %add3A_78 = arith.addi %add3A_76, %add3A_77 : i32
        %dma_wait3A_79 = arith.constant 0 : i32
        %dma_wait3A_80 = tpu.memref_slice %arg4[%add3A_78, %dma_wait3A_79] : memref<81920x768xf32, #tpu.memory_space<hbm>> -> memref<64x768xf32, #tpu.memory_space<hbm>>
        %dma_wait3A_81 = arith.constant 0 : i32
        %dma_wait3A_82 = tpu.memref_slice %arg4[%add3A_78, %dma_wait3A_81] : memref<81920x768xf32, #tpu.memory_space<hbm>> -> memref<64x768xf32, #tpu.memory_space<hbm>>
        tpu.wait_dma2 semaphore(%arg10 : memref<!tpu.dma_semaphore, #tpu.memory_space<semaphore_mem>>) src(%arg6 : memref<64x768xf32, #tpu.memory_space<vmem>>) dst(%dma_wait3A_82 : memref<64x768xf32, #tpu.memory_space<hbm>>)
        %add3A_83 = arith.constant 1 : i32
        %add3A_84 = arith.addi %scan3A_36, %add3A_83 : i32
        %dma_start3A_85 = arith.constant 0 : i32
        %dma_start3A_86 = tpu.memref_slice %arg5[%add3A_84, %dma_start3A_85] : memref<20x128xi32, #tpu.memory_space<vmem>> -> memref<1x64xi32, #tpu.memory_space<vmem>>
        %dma_start3A_87 = tpu.memref_squeeze %dma_start3A_86 : memref<1x64xi32, #tpu.memory_space<vmem>> -> memref<64xi32, #tpu.memory_space<vmem>>
        %dma_start3A_88 = arith.constant 0 : i32
        %dma_start3A_89 = arith.constant 0 : i32
        %dma_start3A_90 = tpu.memref_slice %arg3[%dma_start3A_88, %dma_start3A_89] : memref<28996x768xf32, #tpu.memory_space<hbm>> -> memref<28996x768xf32, #tpu.memory_space<hbm>>
        tpu.enqueue_indirect_dma source(%dma_start3A_90 : memref<28996x768xf32, #tpu.memory_space<hbm>>) target(%arg6 : memref<64x768xf32, #tpu.memory_space<vmem>>) offsets(%dma_start3A_87 : memref<64xi32, #tpu.memory_space<vmem>>) semaphore(%arg8 : memref<!tpu.dma_semaphore, #tpu.memory_space<semaphore_mem>>)
      } else {
      }
      %dma_wait3A_54 = arith.constant 64 : i32
      %dma_wait3A_55 = tpu.memref_slice %arg5[%scan3A_36, %dma_wait3A_54] : memref<20x128xi32, #tpu.memory_space<vmem>> -> memref<1x64xi32, #tpu.memory_space<vmem>>
      %dma_wait3A_56 = tpu.memref_squeeze %dma_wait3A_55 : memref<1x64xi32, #tpu.memory_space<vmem>> -> memref<64xi32, #tpu.memory_space<vmem>>
      %dma_wait3A_57 = arith.constant 0 : i32
      %dma_wait3A_58 = arith.constant 0 : i32
      %dma_wait3A_59 = tpu.memref_slice %arg3[%dma_wait3A_57, %dma_wait3A_58] : memref<28996x768xf32, #tpu.memory_space<hbm>> -> memref<28996x768xf32, #tpu.memory_space<hbm>>
      tpu.wait_indirect_dma semaphore(%arg9 : memref<!tpu.dma_semaphore, #tpu.memory_space<semaphore_mem>>) src(%dma_wait3A_59 : memref<28996x768xf32, #tpu.memory_space<hbm>>) dst(%arg7 : memref<64x768xf32, #tpu.memory_space<vmem>>)
      %mul3A_60 = arith.constant 4096 : i32
      %mul3A_61 = arith.muli %scan3A_36, %mul3A_60 : i32
      %add3A_62 = arith.addi %mul3A_61, %mul3A_2 : i32
      %add3A_63 = arith.constant 64 : i32
      %add3A_64 = arith.addi %add3A_62, %add3A_63 : i32
      %dma_start3A_65 = arith.constant 0 : i32
      %dma_start3A_66 = tpu.memref_slice %arg4[%add3A_64, %dma_start3A_65] : memref<81920x768xf32, #tpu.memory_space<hbm>> -> memref<64x768xf32, #tpu.memory_space<hbm>>
      %dma_start3A_67 = arith.constant 0 : i32
      %dma_start3A_68 = tpu.memref_slice %arg4[%add3A_64, %dma_start3A_67] : memref<81920x768xf32, #tpu.memory_space<hbm>> -> memref<64x768xf32, #tpu.memory_space<hbm>>
      tpu.enqueue_dma source(%arg7 : memref<64x768xf32, #tpu.memory_space<vmem>>) target(%dma_start3A_68 : memref<64x768xf32, #tpu.memory_space<hbm>>) target_semaphore(%arg11 : memref<!tpu.dma_semaphore, #tpu.memory_space<semaphore_mem>>)
      %lt3A_69 = arith.constant 19 : i32
      %lt3A_70 = arith.cmpi slt, %scan3A_36, %lt3A_69 : i32
      %convert_element_type3A_71 = arith.extui %lt3A_70 : i1 to i32
      %cond3A_72 = arith.constant 0 : i32
      %cond3A_73 = arith.cmpi ne, %convert_element_type3A_71, %cond3A_72 : i32
      scf.if %cond3A_73 {
        %mul3A_74 = arith.constant 4096 : i32
        %mul3A_75 = arith.muli %scan3A_36, %mul3A_74 : i32
        %add3A_76 = arith.addi %mul3A_75, %mul3A_2 : i32
        %add3A_77 = arith.constant 64 : i32
        %add3A_78 = arith.addi %add3A_76, %add3A_77 : i32
        %dma_wait3A_79 = arith.constant 0 : i32
        %dma_wait3A_80 = tpu.memref_slice %arg4[%add3A_78, %dma_wait3A_79] : memref<81920x768xf32, #tpu.memory_space<hbm>> -> memref<64x768xf32, #tpu.memory_space<hbm>>
        %dma_wait3A_81 = arith.constant 0 : i32
        %dma_wait3A_82 = tpu.memref_slice %arg4[%add3A_78, %dma_wait3A_81] : memref<81920x768xf32, #tpu.memory_space<hbm>> -> memref<64x768xf32, #tpu.memory_space<hbm>>
        tpu.wait_dma2 semaphore(%arg11 : memref<!tpu.dma_semaphore, #tpu.memory_space<semaphore_mem>>) src(%arg7 : memref<64x768xf32, #tpu.memory_space<vmem>>) dst(%dma_wait3A_82 : memref<64x768xf32, #tpu.memory_space<hbm>>)
        %add3A_83 = arith.constant 1 : i32
        %add3A_84 = arith.addi %scan3A_36, %add3A_83 : i32
        %dma_start3A_85 = arith.constant 64 : i32
        %dma_start3A_86 = tpu.memref_slice %arg5[%add3A_84, %dma_start3A_85] : memref<20x128xi32, #tpu.memory_space<vmem>> -> memref<1x64xi32, #tpu.memory_space<vmem>>
        %dma_start3A_87 = tpu.memref_squeeze %dma_start3A_86 : memref<1x64xi32, #tpu.memory_space<vmem>> -> memref<64xi32, #tpu.memory_space<vmem>>
        %dma_start3A_88 = arith.constant 0 : i32
        %dma_start3A_89 = arith.constant 0 : i32
        %dma_start3A_90 = tpu.memref_slice %arg3[%dma_start3A_88, %dma_start3A_89] : memref<28996x768xf32, #tpu.memory_space<hbm>> -> memref<28996x768xf32, #tpu.memory_space<hbm>>
        tpu.enqueue_indirect_dma source(%dma_start3A_90 : memref<28996x768xf32, #tpu.memory_space<hbm>>) target(%arg7 : memref<64x768xf32, #tpu.memory_space<vmem>>) offsets(%dma_start3A_87 : memref<64xi32, #tpu.memory_space<vmem>>) semaphore(%arg9 : memref<!tpu.dma_semaphore, #tpu.memory_space<semaphore_mem>>)
      } else {
      }
    }
    %scan3A_20 = arith.constant 20 : i32
    %add3A_21 = arith.constant 77824 : i32
    %add3A_22 = arith.addi %add3A_21, %mul3A_2 : i32
    %add3A_23 = arith.constant 0 : i32
    %add3A_24 = arith.addi %add3A_22, %add3A_23 : i32
    %dma_wait3A = arith.constant 0 : i32
    %dma_wait3A_25 = tpu.memref_slice %arg4[%add3A_24, %dma_wait3A] : memref<81920x768xf32, #tpu.memory_space<hbm>> -> memref<64x768xf32, #tpu.memory_space<hbm>>
    %dma_wait3A_26 = arith.constant 0 : i32
    %dma_wait3A_27 = tpu.memref_slice %arg4[%add3A_24, %dma_wait3A_26] : memref<81920x768xf32, #tpu.memory_space<hbm>> -> memref<64x768xf32, #tpu.memory_space<hbm>>
    tpu.wait_dma2 semaphore(%arg10 : memref<!tpu.dma_semaphore, #tpu.memory_space<semaphore_mem>>) src(%arg6 : memref<64x768xf32, #tpu.memory_space<vmem>>) dst(%dma_wait3A_27 : memref<64x768xf32, #tpu.memory_space<hbm>>)
    %add3A_28 = arith.constant 77824 : i32
    %add3A_29 = arith.addi %add3A_28, %mul3A_2 : i32
    %add3A_30 = arith.constant 64 : i32
    %add3A_31 = arith.addi %add3A_29, %add3A_30 : i32
    %dma_wait3A_32 = arith.constant 0 : i32
    %dma_wait3A_33 = tpu.memref_slice %arg4[%add3A_31, %dma_wait3A_32] : memref<81920x768xf32, #tpu.memory_space<hbm>> -> memref<64x768xf32, #tpu.memory_space<hbm>>
    %dma_wait3A_34 = arith.constant 0 : i32
    %dma_wait3A_35 = tpu.memref_slice %arg4[%add3A_31, %dma_wait3A_34] : memref<81920x768xf32, #tpu.memory_space<hbm>> -> memref<64x768xf32, #tpu.memory_space<hbm>>
    tpu.wait_dma2 semaphore(%arg11 : memref<!tpu.dma_semaphore, #tpu.memory_space<semaphore_mem>>) src(%arg7 : memref<64x768xf32, #tpu.memory_space<vmem>>) dst(%dma_wait3A_35 : memref<64x768xf32, #tpu.memory_space<hbm>>)
    return
  }
}

</mosaic_0001>

<sc_bundles>
// kernel: kernel.3.cloned.1.call-start
scs
__scs_entry_jumppad:
0x0: {  	(pc) =	sbr.rel $0x88, $3  }
0x1: {  	(tag) =	ssettag $0x0;
	lr =	simm.s32 $0x1  }
0x2: {  	[smem:$0x3F9F] =	sst lr;
	_ =	strace $0xD0000000  }
0x3: {  	_ = 	snop  }
0x4: {  	_ = 	snop  }
0x5: {  	_ = 	snop  }
0x6: {  	_ = 	snop  }
0x7: {  	_ = 	snop  }
__scs_overlays_trampoline_lowered:
0x8: {  	[smem:$0x3FAE] =	sst s0  }
0x9: {  	[smem:$0x3FAF] =	sst s1  }
0xa: {  	[smem:$0x3FB0] =	sst s2  }
0xb: {  	[smem:$0x3FB1] =	sst s3  }
0xc: {  	[smem:$0x3FB2] =	sst s4  }
0xd: {  	[smem:$0x3FB3] =	sst s5  }
0xe: {  	[smem:$0x3FB4] =	sst s6  }
0xf: {  	[smem:$0x3FB5] =	sst s7  }
0x10: {  	[smem:$0x3FB6] =	sst s8  }
0x11: {  	[smem:$0x3FB7] =	sst s9;
	s0 =	simm.s32 @!p0 $0x0  }
0x12: {  	s1 =	sld [smem:$0x3F9D];
	s0 =	simm.s32 @p0 $0x1  }
0x13: {  	[smem:$0x3FB8] =	sst s0;
	s0 =	simm.s32 @!p1 $0x0  }
0x14: {  	s2 =	sld [smem:$0x3F9C];
	s0 =	simm.s32 @p1 $0x1  }
0x15: {  	[smem:$0x3FB9] =	sst s0;
	s0 =	simm.s32 @!p2 $0x0  }
0x16: {  	s3 =	sld [smem:$0x3FDB];
	s0 =	simm.s32 @p2 $0x1  }
0x17: {  	s4 =	simm.s32 $0x1BF5;
	[smem:$0x3FBB] =	sst s0  }
0x18: {  	s0 =	sld [smem:$0x3F9E];
	_ =	swait.ge [sflag:s4], $0x0  }
0x19: {  	s7 =	sld [smem:$0x3F9F]  }
0x1a: {  	s8 =	sadd.s32 $0xFFFFE003, lr  }
0x1b: {  	s9 =	sadd.s32 $0xFFFFFEF7, lr;
	s5 =	simm.s32 $0xFFFFFFFF;
	p2 =	slt.u32 s8, $0xFFFFF086  }
0x1c: {  	p1 =	slt.u32 s9, $0xF7A;
	s5 =	simm.s32 @!p2 $0x0  }
0x1d: {  	s5 =	simm.s32 @p1 $0x1;
	p0 =	seq.s32 s7, s2  }
0x1e: {  	s7 =	smul.u32 @!p0 $0xF7A, s2;
	p2 =	seq.s32 @!p0 s5, $0x0  }
0x1f: {  	s9 =	smul.u32 $0xF7A, s1;
	s8 =	simm.s32 @!p0 $0x1BF5;
	p2 =	por !p2, p0  }
0x20: {  	[sflag:s8] =	ssyncset.s32 @!p0 $0xFFFFF086;
	s6 =	sadd.s32 @!p0 s3, s7;
	s7 =	simm.s32 @!p0 $0x108  }
0x21: {  	s3 =	sadd.s32 s3, s9;
	s6 =	sadd.s32 @!p0 $0x88, s6;
	s7 =	simm.s32 @p2 $0x1082  }
0x22: {  	[simem:s7], [sflag:s8] =	dma.local @!p0 [hbm:s6], $0xF7A  }
0x23: {  	s9 =	sor.u32 $0xD0000000, s2;
	s6 =	simm.s32 $0x108;
	_ =	swait.ge @!p0 [sflag:s8], $0x0  }
0x24: {  	s3 =	sadd.s32 $0x88, s3;
	s6 =	simm.s32 @!p1 $0x1082;
	[sflag:s4] =	ssyncset.s32 $0xFFFFF086  }
0x25: {  	[simem:s6], [sflag:s4] =	dma.local [hbm:s3], $0xF7A  }
0x26: {  	[smem:$0x3F9F] =	sst s1;
	(tag) =	ssettag s2;
	_ =	strace s9  }
0x27: {  	s1 =	sld [smem:$0x3FAF]  }
0x28: {  	s2 =	sld [smem:$0x3FB0]  }
0x29: {  	s4 =	sld [smem:$0x3FB2]  }
0x2a: {  	p0 =	seq.s32 s5, $0x0;
	s5 =	sld [smem:$0x3FB3]  }
0x2b: {  	s6 =	sld [smem:$0x3FB4]  }
0x2c: {  	s7 =	sld [smem:$0x3FB5]  }
0x2d: {  	s3 =	simm.s32 $0x108;
	s8 =	sld [smem:$0x3FB6]  }
0x2e: {  	s3 =	simm.s32 @!p0 $0x1082;
	s9 =	sld [smem:$0x3FB7]  }
0x2f: {  	lr =	sadd.s32 s0, s3;
	s0 =	sld [smem:$0x3FAE]  }
0x30: {  	s3 =	sld [smem:$0x3FB1]  }
0x31: {  	[smem:$0x3FBA] =	sst s10  }
0x32: {  	s10 =	sld [smem:$0x3FB8];
	_ =	sdelay $0x3  }
0x33: {  	p0 =	seq.s32 s10, $0x1;
	s10 =	sld [smem:$0x3FBA];
	_ =	sdelay $0x3  }
0x34: {  	[smem:$0x3FBA] =	sst s10  }
0x35: {  	s10 =	sld [smem:$0x3FB9];
	_ =	sdelay $0x3  }
0x36: {  	p1 =	seq.s32 s10, $0x1;
	s10 =	sld [smem:$0x3FBA];
	_ =	sdelay $0x3  }
0x37: {  	[smem:$0x3FBA] =	sst s10  }
0x38: {  	s10 =	sld [smem:$0x3FBB]  }
0x39: {  	_ = 	snop;
	(pc) =	sbr.ind lr, $3  }
0x3a: {  	_ = 	snop  }
0x3b: {  	_ = 	snop  }
0x3c: {  	p2 =	seq.s32 s10, $0x1;
	s10 =	sld [smem:$0x3FBA]  }
0x3d: {  	_ =	shalt  }
0x3e: {  	_ =	shalt  }
0x3f: {  	_ =	shalt  }
0x40: {  	_ =	shalt  }
0x41: {  	_ =	shalt  }
0x42: {  	_ =	shalt  }
0x43: {  	_ =	shalt  }
0x44: {  	_ =	shalt  }
0x45: {  	_ =	shalt  }
0x46: {  	_ =	shalt  }
0x47: {  	_ =	shalt  }
0x48: {  	_ =	shalt  }
0x49: {  	_ =	shalt  }
0x4a: {  	_ =	shalt  }
0x4b: {  	_ =	shalt  }
0x4c: {  	_ =	shalt  }
0x4d: {  	_ =	shalt  }
0x4e: {  	_ =	shalt  }
0x4f: {  	_ =	shalt  }
0x50: {  	_ =	shalt  }
0x51: {  	_ =	shalt  }
0x52: {  	_ =	shalt  }
0x53: {  	_ =	shalt  }
0x54: {  	_ =	shalt  }
0x55: {  	_ =	shalt  }
0x56: {  	_ =	shalt  }
0x57: {  	_ =	shalt  }
0x58: {  	_ =	shalt  }
0x59: {  	_ =	shalt  }
0x5a: {  	_ =	shalt  }
0x5b: {  	_ =	shalt  }
0x5c: {  	_ =	shalt  }
0x5d: {  	_ =	shalt  }
0x5e: {  	_ =	shalt  }
0x5f: {  	_ =	shalt  }
0x60: {  	_ =	shalt  }
0x61: {  	_ =	shalt  }
0x62: {  	_ =	shalt  }
0x63: {  	_ =	shalt  }
0x64: {  	_ =	shalt  }
0x65: {  	_ =	shalt  }
0x66: {  	_ =	shalt  }
0x67: {  	_ =	shalt  }
0x68: {  	_ =	shalt  }
0x69: {  	_ =	shalt  }
0x6a: {  	_ =	shalt  }
0x6b: {  	_ =	shalt  }
0x6c: {  	_ =	shalt  }
0x6d: {  	_ =	shalt  }
0x6e: {  	_ =	shalt  }
0x6f: {  	_ =	shalt  }
0x70: {  	_ =	shalt  }
0x71: {  	_ =	shalt  }
0x72: {  	_ =	shalt  }
0x73: {  	_ =	shalt  }
0x74: {  	_ =	shalt  }
0x75: {  	_ =	shalt  }
0x76: {  	_ =	shalt  }
0x77: {  	_ =	shalt  }
0x78: {  	_ =	shalt  }
0x79: {  	_ =	shalt  }
0x7a: {  	_ =	shalt  }
0x7b: {  	_ =	shalt  }
0x7c: {  	_ =	shalt  }
0x7d: {  	_ =	shalt  }
0x7e: {  	_ =	shalt  }
0x7f: {  	_ =	shalt  }
0x80: {  	_ =	shalt  }
0x81: {  	_ =	shalt  }
0x82: {  	_ =	shalt  }
0x83: {  	_ =	shalt  }
0x84: {  	_ =	shalt  }
0x85: {  	_ =	shalt  }
0x86: {  	_ =	shalt  }
0x87: {  	_ =	shalt  }
.Lfunc_end0:
.L_simem_size_0:
called_computation_lowered:
.L_overlay_start_0:
0x88: {  	s2 =	sld [smem:$0x3FD9]  }
0x89: {  	s3 =	sld [smem:$0x3FFE];
	_ =	sdelay $0x1  }
0x8a: {  	s1 =	srdreg.scid  }
0x8b: {  	s0 =	sand.u32 $0x1, s1  }
0x8c: {  	s18 =	sshll.u32 s0, $0xA;
	s2 =	sadd.s32 s3, s2  }
0x8d: {  	s2 =	sadd.s32 s2, s18  }
0x8e: {  	[smem:$0x3FC6] =	sst s2  }
0x8f: {  	_ = 	snop  }
0x90: {  	s2 =	sld [smem:$0x3FC9]  }
0x91: {  	s19 =	sld [smem:$0x3FC8]  }
0x92: {  	s4 =	sld [smem:$0x3FD0];
	(tm) =	ssettm $0x1  }
0x93: {  	s5 =	sld [smem:$0x3FFB];
	_ =	sdelay $0x3  }
0x94: {  	_ =	strace s5  }
0x95: {  	s5 =	sld [smem:$0x3FFC];
	_ =	sdelay $0x3  }
0x96: {  	_ =	strace s5  }
0x97: {  	s5 =	sld [smem:$0x3FFD];
	_ =	sdelay $0x3  }
0x98: {  	_ =	strace s5  }
0x99: {  	_ =	strace $0x8FFFFFFF  }
0x9a: {  	s20 =	sld [smem:$0x3FDB];
	_ =	sdelay $0x1  }
0x9b: {  	s6 =	simm.s32 $_scs_section_size  }
0x9c: {  	s7 =	simm.s32 $_size__tile_overlayer_lowered;
	s8 =	simm.s32 $_tile_overlayer_lowered  }
0x9d: {  	s23 =	simm.s32 $0x1BFF;
	s22 =	sshll.u32 s8, $0x1;
	s5 =	sadd.s32 s6, s20  }
0x9e: {  	s9 =	simm.s32 $0x0;
	s21 =	sshll.u32 s7, $0x1;
	s7 =	sadd.s32 s22, s5  }
0x9f: {  	[timem:s9], [sflag:s23] =	dma.local [hbm:s7], s21  }
0xa0: {  	_ =	swait.ge [sflag:s23], s21  }
0xa1: {  	s6 =	ssub.s32 $0x0, s21;
	[sflag:s23] =	ssyncset.done $0x0  }
0xa2: {  	[sflag:s23] =	ssyncadd.s32 s6;
	_ =	sdelay $0x1  }
0xa3: {  	s24 =	simm.s32 $0x1B8B  }
0xa4: {  	_ =	swait.ge [sflag:s24], $0x1  }
0xa5: {  	[sflag:s24] =	ssyncset.done $0x0  }
0xa6: {  	s25 =	simm.s32 $0x1B8E;
	[sflag:s24] =	ssyncadd.s32 $0xFFFFFFFF  }
0xa7: {  	s26 =	simm.s32 $execute0_lowered;
	[smem:$0x3FD2] =	sst s25  }
0xa8: {  	s6 =	sshll.u32 s26, $0x1;
	_ =	strace $0x80000046;
	[dreg:$0x1] =	wrdreg $0xFFFFFFFF  }
0xa9: {  	s28 =	simm.s32 $_size_execute0_lowered;
	s5 =	sadd.s32 s5, s6;
	[dreg:$0x0] =	wrdreg $0x0  }
0xaa: {  	s6 =	sshll.u32 s28, $0x1;
	[dreg:$0x2] =	wrdreg s5  }
0xab: {  	[dreg:$0x3] =	wrdreg s6  }
0xac: {  	[dreg:$0x4] =	wrdreg $0xC0  }
0xad: {  	_ =	task [dreg:s9], $0x5FFFF  }
0xae: {  	[dreg:$0x1] =	wrdreg $0xFFFFFFFF  }
0xaf: {  	[dreg:$0x0] =	wrdreg $0x60  }
0xb0: {  	[dreg:$0x2] =	wrdreg s2  }
0xb1: {  	[dreg:$0x3] =	wrdreg s19  }
0xb2: {  	[dreg:$0x4] =	wrdreg s4  }
0xb3: {  	[dreg:$0x5] =	wrdreg $0x9  }
0xb4: {  	_ =	task.clear_ibuf [dreg:s9], $0x6FFFF;
	_ =	strace $0x90000046  }
0xb5: {  	s29 =	simm.s32 $0x9;
	_ =	strace $0x80000048  }
0xb6: {  	_ =	swait.ge [sflag:s29], $0x1  }
0xb7: {  	[sflag:s29] =	ssyncadd.s32 $0xFFFFFFFF  }
0xb8: {  	_ =	strace $0x90000048  }
0xb9: {  	_ =	sfence  }
0xba: {  	s30 =	sld [smem:$0x0];
	_ =	sdelay $0x2  }
0xbb: {  	s31 =	sshll.u32 s1, $0xD;
	s1 =	sshrl.u32 s1, $0x2  }
0xbc: {  	s3 =	sand.u32 $0x4000, s31;
	s1 =	sadd.s32 s1, s30  }
0xbd: {  	s0 =	sor.u32 s3, s0;
	s1 =	sshll.u32 s1, $0x11  }
0xbe: {  	s0 =	sor.u32 s1, s0  }
0xbf: {  	s0 =	sadd.s32 $0x8F2B, s0  }
0xc0: {  	[sflag:s0] =	ssyncadd.remote.s32 $0x1  }
0xc1: {  	_ =	sfence.sel $0xFFFF  }
0xc2: {  	[dreg:$0x0] =	wrdreg $0xFFFFFFFF;
	(pc) =	sbr.abs _section_cstart, $3  }
0xc3: {  	[dreg:$0x1] =	wrdreg $0xFFFFFFFF  }
0xc4: {  	_ =	task.clear_ibuf [dreg:s9], $0x2FFFF;
	_ =	strace $0x9FFFFFFF  }
0xc5: {  	(tm) =	ssettm $0x7FFFFFFF  }
tec
execute0_lowered:
.L_overlay_start_1:
0x0: {  	(tag) =	ssettag $0x1  }
0x1: {  	s0 =	rddreg [dreg:$0x0]  }
0x2: {  	s2 =	rddreg [dreg:$0x1]  }
0x3: {  	s1 =	rddreg [dreg:$0x2]  }
0x4: {  	s3 =	srdreg.scid;
	s5 =	stileid.u32;
	s14 =	simm.s32 $0xC00  }
0x5: {  	s20 =	simm.s32 $0xD400;
	s21 =	simm.s32 $0x10C00;
	s22 =	simm.s32 $0x11400  }
0x6: {  	s23 =	simm.s32 $0x11C00;
	s24 =	simm.s32 $0x12400;
	s25 =	simm.s32 $0x12C00  }
0x7: {  	s28 =	simm.s32 $0x13C00;
	s29 =	simm.s32 $0x14400;
	s30 =	simm.s32 $0x14C00  }
0x8: {  	s31 =	simm.s32 $0x15400;
	s10 =	simm.s32 $0x16C00;
	s11 =	simm.s32 $0x17400  }
0x9: {  	s12 =	simm.s32 $0x17C00;
	s8 =	simm.s32 $0x1;
	s13 =	simm.s32 $0x2  }
0xa: {  	s15 =	simm.s32 $0x3;
	s16 =	simm.s32 $0x4;
	s18 =	simm.s32 $0x0  }
0xb: {  	s4 =	sand.u32 $0x1, s3;
	s3 =	simm.s32 $0x0;
	s5 =	sshll.u32 s5, $0x8  }
0xc: {  	s6 =	sshll.u32 s4, $0x7;
	[smem:$0x7FF] =	sst s3;
	s4 =	ssub.s32 $0x2, s4  }
0xd: {  	s5 =	sor.u32 s6, s5;
	_ =	strace $0x80000047;
	s7 =	sshrl.u32 s4, $0x1  }
0xe: {  	s6 =	sshrl.u32 s5, $0x3;
	s5 =	sadd.s32 s0, s5;
	s4 =	ssub.s32 s4, s7  }
.Ltmp0:
0xf: {  	s7 =	sadd.s32 $0x200, s2;
	s0 =	simm.s32 $0x15C00;
	(pc) =	sbr.rel .LBB2_1-.Ltmp0, $4  }
0x10: {  	s26 =	smul.u32 $0x300, s6;
	[dreg:$0x4] =	wrdreg s5;
	s5 =	sadd.s32 $0x2000, s5  }
0x11: {  	v2 =	vlaneseq.u32;
	s6 =	sadd.s32 $0x100, s2;
	s4 =	smax.u32 s4, $0x1;
	[dreg:$0x5] =	wrdreg s5  }
0x12: {  	vm0 =	vmmov $0xffff;
	v1 =	vshrl.u32 v2, $0x3;
	[dreg:$0x6] =	wrdreg s4;
	s4 =	simm.s32 $0xCC00;
	s5 =	simm.s32 $0x18400  }
0x13: {  	v0 =	vand.u32 $0x7, v2;
	v2 =	vor.u32 $0x8, v2;
	v1 =	vmul.u32 $0x8, v1;
	s9 =	sadd.s32 s26, s1;
	s26 =	simm.s32 $0x13400;
	s1 =	simm.s32 $0x16400  }
.LBB2_6:
0x14: {  	_ =	swait.ge [sflag:s15], $0xC000  }
0x15: {  	[sflag:s15] =	ssyncset.done $0x0  }
0x16: {  	[sflag:s15] =	ssyncadd.s32 $0xFFFF4000  }
0x17: {  	_ =	swait.ge [sflag:s16], $0xC000  }
0x18: {  	s18 =	rddreg [dreg:$0x7]  }
0x19: {  	s17 =	rddreg [dreg:$0x6];
	s18 =	sadd.s32 $0x1, s18  }
0x1a: {  	p0 =	sne.s32 s18, s17  }
.Ltmp1:
0x1b: {  	_ = 	snop;
	(pc) =	sbr.rel @!p0 .LBB2_7-.Ltmp1, $3  }
0x1c: {  	_ =	sdelay $0x1  }
0x1d: {  	[sflag:s16] =	ssyncset.done $0x0  }
0x1e: {  	[sflag:s16] =	ssyncadd.s32 $0xFFFF4000  }
.LBB2_1:
0x1f: {  	[dreg:$0x7] =	wrdreg s18  }
0x20: {  	s17 =	rddreg [dreg:$0x4];
	s18 =	simm.s32 $0x400;
	s19 =	simm.s32 $0x8000  }
0x21: {  	[tilespmem:s3], [sflag:$0x5] =	stream.strided.gather [hbm4b:s17+s18], $0x800, s19, s18, $0x38;
	[tilespmem:$0x18C00] =	vst v63  }
0x22: {  	s18 =	rddreg [dreg:$0x5];
	s19 =	simm.s32 $0x800  }
0x23: {  	[tilespmem:s19], [sflag:$0x5] =	stream.linear.gather [hbm4b:s18+s3], $0x200, $0x38;
	[tilespmem:$0x18C00] =	vst v63  }
0x24: {  	s18 =	simm.s32 $0x5  }
0x25: {  	_ =	swait.ge [sflag:s18], $0xA00  }
0x26: {  	[sflag:s18] =	ssyncset.done $0x0  }
0x27: {  	[sflag:s18] =	ssyncadd.s32 $0xFFFFF600  }
0x28: {  	v3 =	vld [tilespmem:$0x0];
	_ =	sdelay $0x4  }
0x29: {  	v4 =	vshrl.u32 v3, $0x3  }
0x2a: {  	v4 =	vmul.u32 $0x30, v4  }
0x2b: {  	v3 =	vand.u32 $0x7, v3  }
0x2c: {  	v3 =	vor.u32 v3, v4  }
0x2d: {  	v4 =	vperm.xlane v3, v0;
	_ =	sdelay $0x1  }
0x2e: {  	v4 =	vadd.s32 v1, v4;
	_ =	sdelay $0x3  }
0x2f: {  	v3 =	vperm.xlane v3, v2  }
0x30: {  	[tilespmem:s14], [sflag:$0x1] =	stream.indirect_vreg.gather [hbm4b:s2+s3], $0x80, v4, vm0, $0xb8;
	[tilespmem:$0x18C00] =	vst v63  }
0x31: {  	s19 =	simm.s32 $0x1400;
	v3 =	vadd.s32 v1, v3  }
0x32: {  	[tilespmem:s19], [sflag:$0x1] =	stream.indirect_vreg.gather [hbm4b:s6+s3], $0x80, v4, vm0, $0xb8;
	[tilespmem:$0x18C00] =	vst v63  }
0x33: {  	s18 =	simm.s32 $0x1C00  }
0x34: {  	[tilespmem:s18], [sflag:$0x1] =	stream.indirect_vreg.gather [hbm4b:s7+s3], $0x80, v4, vm0, $0xb8;
	[tilespmem:$0x18C00] =	vst v63  }
0x35: {  	s19 =	simm.s32 $0x2400  }
0x36: {  	[tilespmem:s19], [sflag:$0x1] =	stream.indirect_vreg.gather [hbm4b:s2+s3], $0x80, v3, vm0, $0xb8;
	[tilespmem:$0x18C00] =	vst v63  }
0x37: {  	s18 =	simm.s32 $0x2C00  }
0x38: {  	[tilespmem:s18], [sflag:$0x1] =	stream.indirect_vreg.gather [hbm4b:s6+s3], $0x80, v3, vm0, $0xb8;
	[tilespmem:$0x18C00] =	vst v63  }
0x39: {  	s19 =	simm.s32 $0x3400  }
0x3a: {  	[tilespmem:s19], [sflag:$0x1] =	stream.indirect_vreg.gather [hbm4b:s7+s3], $0x80, v3, vm0, $0xb8;
	[tilespmem:$0x18C00] =	vst v63  }
0x3b: {  	v3 =	vld [tilespmem:$0x10];
	_ =	sdelay $0x4  }
0x3c: {  	v57 =	vshrl.u32 v3, $0x3  }
0x3d: {  	v4 =	vmul.u32 $0x30, v57  }
0x3e: {  	v3 =	vand.u32 $0x7, v3  }
0x3f: {  	v3 =	vor.u32 v3, v4  }
0x40: {  	v4 =	vperm.xlane v3, v0;
	_ =	sdelay $0x1  }
0x41: {  	v4 =	vadd.s32 v1, v4;
	_ =	sdelay $0x3  }
0x42: {  	s18 =	simm.s32 $0x3C00;
	v3 =	vperm.xlane v3, v2  }
0x43: {  	[tilespmem:s18], [sflag:$0x1] =	stream.indirect_vreg.gather [hbm4b:s2+s3], $0x80, v4, vm0, $0xb8;
	[tilespmem:$0x18C00] =	vst v63  }
0x44: {  	s19 =	simm.s32 $0x4400;
	v3 =	vadd.s32 v1, v3  }
0x45: {  	[tilespmem:s19], [sflag:$0x1] =	stream.indirect_vreg.gather [hbm4b:s6+s3], $0x80, v4, vm0, $0xb8;
	[tilespmem:$0x18C00] =	vst v63  }
0x46: {  	s18 =	simm.s32 $0x4C00  }
0x47: {  	[tilespmem:s18], [sflag:$0x1] =	stream.indirect_vreg.gather [hbm4b:s7+s3], $0x80, v4, vm0, $0xb8;
	[tilespmem:$0x18C00] =	vst v63  }
0x48: {  	s19 =	simm.s32 $0x5400  }
0x49: {  	[tilespmem:s19], [sflag:$0x1] =	stream.indirect_vreg.gather [hbm4b:s2+s3], $0x80, v3, vm0, $0xb8;
	[tilespmem:$0x18C00] =	vst v63  }
0x4a: {  	s18 =	simm.s32 $0x5C00  }
0x4b: {  	[tilespmem:s18], [sflag:$0x1] =	stream.indirect_vreg.gather [hbm4b:s6+s3], $0x80, v3, vm0, $0xb8;
	[tilespmem:$0x18C00] =	vst v63  }
0x4c: {  	s19 =	simm.s32 $0x6400  }
0x4d: {  	[tilespmem:s19], [sflag:$0x1] =	stream.indirect_vreg.gather [hbm4b:s7+s3], $0x80, v3, vm0, $0xb8;
	[tilespmem:$0x18C00] =	vst v63  }
0x4e: {  	v3 =	vld [tilespmem:$0x20];
	_ =	sdelay $0x4  }
0x4f: {  	v58 =	vshrl.u32 v3, $0x3  }
0x50: {  	v4 =	vmul.u32 $0x30, v58  }
0x51: {  	v3 =	vand.u32 $0x7, v3  }
0x52: {  	v3 =	vor.u32 v3, v4  }
0x53: {  	v4 =	vperm.xlane v3, v0;
	_ =	sdelay $0x1  }
0x54: {  	v4 =	vadd.s32 v1, v4;
	_ =	sdelay $0x3  }
0x55: {  	s18 =	simm.s32 $0x6C00;
	v3 =	vperm.xlane v3, v2  }
0x56: {  	[tilespmem:s18], [sflag:$0x1] =	stream.indirect_vreg.gather [hbm4b:s2+s3], $0x80, v4, vm0, $0xb8;
	[tilespmem:$0x18C00] =	vst v63  }
0x57: {  	s19 =	simm.s32 $0x7400;
	v3 =	vadd.s32 v1, v3  }
0x58: {  	[tilespmem:s19], [sflag:$0x1] =	stream.indirect_vreg.gather [hbm4b:s6+s3], $0x80, v4, vm0, $0xb8;
	[tilespmem:$0x18C00] =	vst v63  }
0x59: {  	s18 =	simm.s32 $0x7C00  }
0x5a: {  	[tilespmem:s18], [sflag:$0x1] =	stream.indirect_vreg.gather [hbm4b:s7+s3], $0x80, v4, vm0, $0xb8;
	[tilespmem:$0x18C00] =	vst v63  }
0x5b: {  	s19 =	simm.s32 $0x8400  }
0x5c: {  	[tilespmem:s19], [sflag:$0x1] =	stream.indirect_vreg.gather [hbm4b:s2+s3], $0x80, v3, vm0, $0xb8;
	[tilespmem:$0x18C00] =	vst v63  }
0x5d: {  	s18 =	simm.s32 $0x8C00  }
0x5e: {  	[tilespmem:s18], [sflag:$0x1] =	stream.indirect_vreg.gather [hbm4b:s6+s3], $0x80, v3, vm0, $0xb8;
	[tilespmem:$0x18C00] =	vst v63  }
0x5f: {  	s19 =	simm.s32 $0x9400  }
0x60: {  	[tilespmem:s19], [sflag:$0x1] =	stream.indirect_vreg.gather [hbm4b:s7+s3], $0x80, v3, vm0, $0xb8;
	[tilespmem:$0x18C00] =	vst v63  }
0x61: {  	v3 =	vld [tilespmem:$0x30];
	_ =	sdelay $0x4  }
0x62: {  	v59 =	vshrl.u32 v3, $0x3  }
0x63: {  	v4 =	vmul.u32 $0x30, v59  }
0x64: {  	v3 =	vand.u32 $0x7, v3  }
0x65: {  	v3 =	vor.u32 v3, v4  }
0x66: {  	v4 =	vperm.xlane v3, v0;
	_ =	sdelay $0x1  }
0x67: {  	v4 =	vadd.s32 v1, v4;
	_ =	sdelay $0x3  }
0x68: {  	s18 =	simm.s32 $0x9C00;
	v3 =	vperm.xlane v3, v2  }
0x69: {  	[tilespmem:s18], [sflag:$0x1] =	stream.indirect_vreg.gather [hbm4b:s2+s3], $0x80, v4, vm0, $0xb8;
	[tilespmem:$0x18C00] =	vst v63  }
0x6a: {  	s19 =	simm.s32 $0xA400;
	v3 =	vadd.s32 v1, v3  }
0x6b: {  	[tilespmem:s19], [sflag:$0x1] =	stream.indirect_vreg.gather [hbm4b:s6+s3], $0x80, v4, vm0, $0xb8;
	[tilespmem:$0x18C00] =	vst v63  }
0x6c: {  	s18 =	simm.s32 $0xAC00  }
0x6d: {  	[tilespmem:s18], [sflag:$0x1] =	stream.indirect_vreg.gather [hbm4b:s7+s3], $0x80, v4, vm0, $0xb8;
	[tilespmem:$0x18C00] =	vst v63  }
0x6e: {  	s19 =	simm.s32 $0xB400  }
0x6f: {  	[tilespmem:s19], [sflag:$0x1] =	stream.indirect_vreg.gather [hbm4b:s2+s3], $0x80, v3, vm0, $0xb8;
	[tilespmem:$0x18C00] =	vst v63  }
0x70: {  	s18 =	simm.s32 $0xBC00  }
0x71: {  	[tilespmem:s18], [sflag:$0x1] =	stream.indirect_vreg.gather [hbm4b:s6+s3], $0x80, v3, vm0, $0xb8;
	[tilespmem:$0x18C00] =	vst v63  }
0x72: {  	s19 =	simm.s32 $0xC400  }
0x73: {  	[tilespmem:s19], [sflag:$0x1] =	stream.indirect_vreg.gather [hbm4b:s7+s3], $0x80, v3, vm0, $0xb8;
	[tilespmem:$0x18C00] =	vst v63  }
0x74: {  	v3 =	vld [tilespmem:$0x40];
	_ =	sdelay $0x4  }
0x75: {  	v60 =	vshrl.u32 v3, $0x3  }
0x76: {  	v4 =	vmul.u32 $0x30, v60  }
0x77: {  	v3 =	vand.u32 $0x7, v3  }
0x78: {  	v3 =	vor.u32 v3, v4  }
0x79: {  	v4 =	vperm.xlane v3, v0;
	_ =	sdelay $0x1  }
0x7a: {  	v4 =	vadd.s32 v1, v4;
	_ =	sdelay $0x3  }
0x7b: {  	v3 =	vperm.xlane v3, v2  }
0x7c: {  	[tilespmem:s4], [sflag:$0x2] =	stream.indirect_vreg.gather [hbm4b:s2+s3], $0x80, v4, vm0, $0xb8;
	[tilespmem:$0x18C00] =	vst v63  }
0x7d: {  	v3 =	vadd.s32 v1, v3  }
0x7e: {  	[tilespmem:s20], [sflag:$0x2] =	stream.indirect_vreg.gather [hbm4b:s6+s3], $0x80, v4, vm0, $0xb8;
	[tilespmem:$0x18C00] =	vst v63  }
0x7f: {  	s18 =	simm.s32 $0xDC00  }
0x80: {  	[tilespmem:s18], [sflag:$0x2] =	stream.indirect_vreg.gather [hbm4b:s7+s3], $0x80, v4, vm0, $0xb8;
	[tilespmem:$0x18C00] =	vst v63  }
0x81: {  	s19 =	simm.s32 $0xE400  }
0x82: {  	[tilespmem:s19], [sflag:$0x2] =	stream.indirect_vreg.gather [hbm4b:s2+s3], $0x80, v3, vm0, $0xb8;
	[tilespmem:$0x18C00] =	vst v63  }
0x83: {  	s18 =	simm.s32 $0xEC00  }
0x84: {  	[tilespmem:s18], [sflag:$0x2] =	stream.indirect_vreg.gather [hbm4b:s6+s3], $0x80, v3, vm0, $0xb8;
	[tilespmem:$0x18C00] =	vst v63  }
0x85: {  	s19 =	simm.s32 $0xF400  }
0x86: {  	[tilespmem:s19], [sflag:$0x2] =	stream.indirect_vreg.gather [hbm4b:s7+s3], $0x80, v3, vm0, $0xb8;
	[tilespmem:$0x18C00] =	vst v63  }
0x87: {  	v3 =	vld [tilespmem:$0x50];
	_ =	sdelay $0x4  }
0x88: {  	v61 =	vshrl.u32 v3, $0x3  }
0x89: {  	v4 =	vmul.u32 $0x30, v61  }
0x8a: {  	v3 =	vand.u32 $0x7, v3  }
0x8b: {  	v3 =	vor.u32 v3, v4  }
0x8c: {  	v4 =	vperm.xlane v3, v0;
	_ =	sdelay $0x1  }
0x8d: {  	v4 =	vadd.s32 v1, v4;
	_ =	sdelay $0x3  }
0x8e: {  	s18 =	simm.s32 $0xFC00;
	v3 =	vperm.xlane v3, v2  }
0x8f: {  	[tilespmem:s18], [sflag:$0x2] =	stream.indirect_vreg.gather [hbm4b:s2+s3], $0x80, v4, vm0, $0xb8;
	[tilespmem:$0x18C00] =	vst v63  }
0x90: {  	s19 =	simm.s32 $0x10400;
	v3 =	vadd.s32 v1, v3  }
0x91: {  	[tilespmem:s19], [sflag:$0x2] =	stream.indirect_vreg.gather [hbm4b:s6+s3], $0x80, v4, vm0, $0xb8;
	[tilespmem:$0x18C00] =	vst v63  }
0x92: {  	_ = 	snop  }
0x93: {  	[tilespmem:s21], [sflag:$0x2] =	stream.indirect_vreg.gather [hbm4b:s7+s3], $0x80, v4, vm0, $0xb8;
	[tilespmem:$0x18C00] =	vst v63  }
0x94: {  	_ = 	snop  }
0x95: {  	[tilespmem:s22], [sflag:$0x2] =	stream.indirect_vreg.gather [hbm4b:s2+s3], $0x80, v3, vm0, $0xb8;
	[tilespmem:$0x18C00] =	vst v63  }
0x96: {  	_ = 	snop  }
0x97: {  	[tilespmem:s23], [sflag:$0x2] =	stream.indirect_vreg.gather [hbm4b:s6+s3], $0x80, v3, vm0, $0xb8;
	[tilespmem:$0x18C00] =	vst v63  }
0x98: {  	_ = 	snop  }
0x99: {  	[tilespmem:s24], [sflag:$0x2] =	stream.indirect_vreg.gather [hbm4b:s7+s3], $0x80, v3, vm0, $0xb8;
	[tilespmem:$0x18C00] =	vst v63  }
0x9a: {  	v3 =	vld [tilespmem:$0x60];
	_ =	sdelay $0x4  }
0x9b: {  	v62 =	vshrl.u32 v3, $0x3  }
0x9c: {  	v4 =	vmul.u32 $0x30, v62  }
0x9d: {  	v3 =	vand.u32 $0x7, v3  }
0x9e: {  	v3 =	vor.u32 v3, v4  }
0x9f: {  	v4 =	vperm.xlane v3, v0;
	_ =	sdelay $0x1  }
0xa0: {  	v4 =	vadd.s32 v1, v4;
	_ =	sdelay $0x3  }
0xa1: {  	v3 =	vperm.xlane v3, v2  }
0xa2: {  	[tilespmem:s25], [sflag:$0x2] =	stream.indirect_vreg.gather [hbm4b:s2+s3], $0x80, v4, vm0, $0xb8;
	[tilespmem:$0x18C00] =	vst v63  }
0xa3: {  	v3 =	vadd.s32 v1, v3  }
0xa4: {  	[tilespmem:s26], [sflag:$0x2] =	stream.indirect_vreg.gather [hbm4b:s6+s3], $0x80, v4, vm0, $0xb8;
	[tilespmem:$0x18C00] =	vst v63  }
0xa5: {  	_ = 	snop  }
0xa6: {  	[tilespmem:s28], [sflag:$0x2] =	stream.indirect_vreg.gather [hbm4b:s7+s3], $0x80, v4, vm0, $0xb8;
	[tilespmem:$0x18C00] =	vst v63  }
0xa7: {  	_ = 	snop  }
0xa8: {  	[tilespmem:s29], [sflag:$0x2] =	stream.indirect_vreg.gather [hbm4b:s2+s3], $0x80, v3, vm0, $0xb8;
	[tilespmem:$0x18C00] =	vst v63  }
0xa9: {  	_ = 	snop  }
0xaa: {  	[tilespmem:s30], [sflag:$0x2] =	stream.indirect_vreg.gather [hbm4b:s6+s3], $0x80, v3, vm0, $0xb8;
	[tilespmem:$0x18C00] =	vst v63  }
0xab: {  	_ = 	snop  }
0xac: {  	[tilespmem:s31], [sflag:$0x2] =	stream.indirect_vreg.gather [hbm4b:s7+s3], $0x80, v3, vm0, $0xb8;
	[tilespmem:$0x18C00] =	vst v63  }
0xad: {  	v3 =	vld [tilespmem:$0x70];
	_ =	sdelay $0x4  }
0xae: {  	v63 =	vshrl.u32 v3, $0x3  }
0xaf: {  	v4 =	vmul.u32 $0x30, v63  }
0xb0: {  	v3 =	vand.u32 $0x7, v3  }
0xb1: {  	v3 =	vor.u32 v3, v4  }
0xb2: {  	v4 =	vperm.xlane v3, v0;
	_ =	sdelay $0x1  }
0xb3: {  	v4 =	vadd.s32 v1, v4;
	_ =	sdelay $0x3  }
0xb4: {  	v3 =	vperm.xlane v3, v2  }
0xb5: {  	[tilespmem:s0], [sflag:$0x2] =	stream.indirect_vreg.gather [hbm4b:s2+s3], $0x80, v4, vm0, $0xb8;
	[tilespmem:$0x18C00] =	vst v63  }
0xb6: {  	v3 =	vadd.s32 v1, v3  }
0xb7: {  	[tilespmem:s1], [sflag:$0x2] =	stream.indirect_vreg.gather [hbm4b:s6+s3], $0x80, v4, vm0, $0xb8;
	[tilespmem:$0x18C00] =	vst v63  }
0xb8: {  	_ = 	snop  }
0xb9: {  	[tilespmem:s10], [sflag:$0x2] =	stream.indirect_vreg.gather [hbm4b:s7+s3], $0x80, v4, vm0, $0xb8;
	[tilespmem:$0x18C00] =	vst v63  }
0xba: {  	_ = 	snop  }
0xbb: {  	[tilespmem:s11], [sflag:$0x2] =	stream.indirect_vreg.gather [hbm4b:s2+s3], $0x80, v3, vm0, $0xb8;
	[tilespmem:$0x18C00] =	vst v63  }
0xbc: {  	_ = 	snop  }
0xbd: {  	[tilespmem:s12], [sflag:$0x2] =	stream.indirect_vreg.gather [hbm4b:s6+s3], $0x80, v3, vm0, $0xb8;
	[tilespmem:$0x18C00] =	vst v63  }
0xbe: {  	s17 =	simm.s32 $0xF0;
	s18 =	simm.s32 $0x0  }
0xbf: {  	[tilespmem:s5], [sflag:$0x2] =	stream.indirect_vreg.gather [hbm4b:s7+s3], $0x80, v3, vm0, $0xb8;
	[tilespmem:$0x18C00] =	vst v63  }
.LBB2_2:
0xc0: {  	p0 =	seq.s32 s18, $0x720000  }
.Ltmp2:
0xc1: {  	_ = 	snop;
	(pc) =	sbr.rel @p0 .LBB2_4-.Ltmp2, $4  }
0xc2: {  	_ =	swait.ge [sflag:s8], $0xC000  }
0xc3: {  	[sflag:s8] =	ssyncset.done $0x0  }
0xc4: {  	s19 =	sadd.s32 s18, s9;
	[sflag:s8] =	ssyncadd.s32 $0xFFFF4000  }
0xc5: {  	[hbm4b:s19+s3] =	stream.linear.scatter [tilespmem:s14], [sflag:$0x3], $0xC000, $0x38;
	[tilespmem:$0x18C00] =	vst v63  }
0xc6: {  	_ =	swait.ge [sflag:s15], $0xC000  }
0xc7: {  	[sflag:s15] =	ssyncset.done $0x0  }
0xc8: {  	[sflag:s15] =	ssyncadd.s32 $0xFFFF4000  }
0xc9: {  	v3 =	vld [tilespmem:s17+$0xFFFFFF90];
	_ =	sdelay $0x4  }
0xca: {  	v4 =	vshrl.u32 v3, $0x3  }
0xcb: {  	v4 =	vmul.u32 $0x30, v4  }
0xcc: {  	v3 =	vand.u32 $0x7, v3  }
0xcd: {  	v3 =	vor.u32 v3, v4  }
0xce: {  	v4 =	vperm.xlane v3, v0;
	_ =	sdelay $0x1  }
0xcf: {  	v4 =	vadd.s32 v1, v4;
	_ =	sdelay $0x3  }
0xd0: {  	v3 =	vperm.xlane v3, v2  }
0xd1: {  	[tilespmem:s14], [sflag:$0x1] =	stream.indirect_vreg.gather [hbm4b:s2+s3], $0x80, v4, vm0, $0xb8;
	[tilespmem:$0x18C00] =	vst v63  }
0xd2: {  	s20 =	simm.s32 $0x1400;
	v3 =	vadd.s32 v1, v3  }
0xd3: {  	[tilespmem:s20], [sflag:$0x1] =	stream.indirect_vreg.gather [hbm4b:s6+s3], $0x80, v4, vm0, $0xb8;
	[tilespmem:$0x18C00] =	vst v63  }
0xd4: {  	s20 =	simm.s32 $0x1C00  }
0xd5: {  	[tilespmem:s20], [sflag:$0x1] =	stream.indirect_vreg.gather [hbm4b:s7+s3], $0x80, v4, vm0, $0xb8;
	[tilespmem:$0x18C00] =	vst v63  }
0xd6: {  	s20 =	simm.s32 $0x2400  }
0xd7: {  	[tilespmem:s20], [sflag:$0x1] =	stream.indirect_vreg.gather [hbm4b:s2+s3], $0x80, v3, vm0, $0xb8;
	[tilespmem:$0x18C00] =	vst v63  }
0xd8: {  	s20 =	simm.s32 $0x2C00  }
0xd9: {  	[tilespmem:s20], [sflag:$0x1] =	stream.indirect_vreg.gather [hbm4b:s6+s3], $0x80, v3, vm0, $0xb8;
	[tilespmem:$0x18C00] =	vst v63  }
0xda: {  	s20 =	simm.s32 $0x3400  }
0xdb: {  	[tilespmem:s20], [sflag:$0x1] =	stream.indirect_vreg.gather [hbm4b:s7+s3], $0x80, v3, vm0, $0xb8;
	[tilespmem:$0x18C00] =	vst v63  }
0xdc: {  	v3 =	vld [tilespmem:s17+$0xFFFFFFA0];
	_ =	sdelay $0x4  }
0xdd: {  	v61 =	vshrl.u32 v3, $0x3  }
0xde: {  	v4 =	vmul.u32 $0x30, v61  }
0xdf: {  	v3 =	vand.u32 $0x7, v3  }
0xe0: {  	v3 =	vor.u32 v3, v4  }
0xe1: {  	v4 =	vperm.xlane v3, v0;
	_ =	sdelay $0x1  }
0xe2: {  	v4 =	vadd.s32 v1, v4;
	_ =	sdelay $0x3  }
0xe3: {  	s20 =	simm.s32 $0x3C00;
	v3 =	vperm.xlane v3, v2  }
0xe4: {  	[tilespmem:s20], [sflag:$0x1] =	stream.indirect_vreg.gather [hbm4b:s2+s3], $0x80, v4, vm0, $0xb8;
	[tilespmem:$0x18C00] =	vst v63  }
0xe5: {  	v3 =	vadd.s32 v1, v3;
	s20 =	simm.s32 $0x4400  }
0xe6: {  	[tilespmem:s20], [sflag:$0x1] =	stream.indirect_vreg.gather [hbm4b:s6+s3], $0x80, v4, vm0, $0xb8;
	[tilespmem:$0x18C00] =	vst v63  }
0xe7: {  	s20 =	simm.s32 $0x4C00  }
0xe8: {  	[tilespmem:s20], [sflag:$0x1] =	stream.indirect_vreg.gather [hbm4b:s7+s3], $0x80, v4, vm0, $0xb8;
	[tilespmem:$0x18C00] =	vst v63  }
0xe9: {  	s20 =	simm.s32 $0x5400  }
0xea: {  	[tilespmem:s20], [sflag:$0x1] =	stream.indirect_vreg.gather [hbm4b:s2+s3], $0x80, v3, vm0, $0xb8;
	[tilespmem:$0x18C00] =	vst v63  }
0xeb: {  	s20 =	simm.s32 $0x5C00  }
0xec: {  	[tilespmem:s20], [sflag:$0x1] =	stream.indirect_vreg.gather [hbm4b:s6+s3], $0x80, v3, vm0, $0xb8;
	[tilespmem:$0x18C00] =	vst v63  }
0xed: {  	s20 =	simm.s32 $0x6400  }
0xee: {  	[tilespmem:s20], [sflag:$0x1] =	stream.indirect_vreg.gather [hbm4b:s7+s3], $0x80, v3, vm0, $0xb8;
	[tilespmem:$0x18C00] =	vst v63  }
0xef: {  	v3 =	vld [tilespmem:s17+$0xFFFFFFB0];
	_ =	sdelay $0x4  }
0xf0: {  	v62 =	vshrl.u32 v3, $0x3  }
0xf1: {  	v4 =	vmul.u32 $0x30, v62  }
0xf2: {  	v3 =	vand.u32 $0x7, v3  }
0xf3: {  	v3 =	vor.u32 v3, v4  }
0xf4: {  	v4 =	vperm.xlane v3, v0;
	_ =	sdelay $0x1  }
0xf5: {  	v4 =	vadd.s32 v1, v4;
	_ =	sdelay $0x3  }
0xf6: {  	s20 =	simm.s32 $0x6C00;
	v3 =	vperm.xlane v3, v2  }
0xf7: {  	[tilespmem:s20], [sflag:$0x1] =	stream.indirect_vreg.gather [hbm4b:s2+s3], $0x80, v4, vm0, $0xb8;
	[tilespmem:$0x18C00] =	vst v63  }
0xf8: {  	v3 =	vadd.s32 v1, v3;
	s20 =	simm.s32 $0x7400  }
0xf9: {  	[tilespmem:s20], [sflag:$0x1] =	stream.indirect_vreg.gather [hbm4b:s6+s3], $0x80, v4, vm0, $0xb8;
	[tilespmem:$0x18C00] =	vst v63  }
0xfa: {  	s20 =	simm.s32 $0x7C00  }
0xfb: {  	[tilespmem:s20], [sflag:$0x1] =	stream.indirect_vreg.gather [hbm4b:s7+s3], $0x80, v4, vm0, $0xb8;
	[tilespmem:$0x18C00] =	vst v63  }
0xfc: {  	s20 =	simm.s32 $0x8400  }
0xfd: {  	[tilespmem:s20], [sflag:$0x1] =	stream.indirect_vreg.gather [hbm4b:s2+s3], $0x80, v3, vm0, $0xb8;
	[tilespmem:$0x18C00] =	vst v63  }
0xfe: {  	s20 =	simm.s32 $0x8C00  }
0xff: {  	[tilespmem:s20], [sflag:$0x1] =	stream.indirect_vreg.gather [hbm4b:s6+s3], $0x80, v3, vm0, $0xb8;
	[tilespmem:$0x18C00] =	vst v63  }
0x100: {  	s20 =	simm.s32 $0x9400  }
0x101: {  	[tilespmem:s20], [sflag:$0x1] =	stream.indirect_vreg.gather [hbm4b:s7+s3], $0x80, v3, vm0, $0xb8;
	[tilespmem:$0x18C00] =	vst v63  }
0x102: {  	v3 =	vld [tilespmem:s17+$0xFFFFFFC0];
	_ =	sdelay $0x4  }
0x103: {  	v63 =	vshrl.u32 v3, $0x3  }
0x104: {  	v4 =	vmul.u32 $0x30, v63  }
0x105: {  	v3 =	vand.u32 $0x7, v3  }
0x106: {  	v3 =	vor.u32 v3, v4  }
0x107: {  	v4 =	vperm.xlane v3, v0;
	_ =	sdelay $0x1  }
0x108: {  	v4 =	vadd.s32 v1, v4;
	_ =	sdelay $0x3  }
0x109: {  	s20 =	simm.s32 $0x9C00;
	v3 =	vperm.xlane v3, v2  }
0x10a: {  	[tilespmem:s20], [sflag:$0x1] =	stream.indirect_vreg.gather [hbm4b:s2+s3], $0x80, v4, vm0, $0xb8;
	[tilespmem:$0x18C00] =	vst v63  }
0x10b: {  	v3 =	vadd.s32 v1, v3;
	s20 =	simm.s32 $0xA400  }
0x10c: {  	[tilespmem:s20], [sflag:$0x1] =	stream.indirect_vreg.gather [hbm4b:s6+s3], $0x80, v4, vm0, $0xb8;
	[tilespmem:$0x18C00] =	vst v63  }
0x10d: {  	s20 =	simm.s32 $0xAC00  }
0x10e: {  	[tilespmem:s20], [sflag:$0x1] =	stream.indirect_vreg.gather [hbm4b:s7+s3], $0x80, v4, vm0, $0xb8;
	[tilespmem:$0x18C00] =	vst v63  }
0x10f: {  	s20 =	simm.s32 $0xB400  }
0x110: {  	[tilespmem:s20], [sflag:$0x1] =	stream.indirect_vreg.gather [hbm4b:s2+s3], $0x80, v3, vm0, $0xb8;
	[tilespmem:$0x18C00] =	vst v63  }
0x111: {  	s20 =	simm.s32 $0xBC00  }
0x112: {  	[tilespmem:s20], [sflag:$0x1] =	stream.indirect_vreg.gather [hbm4b:s6+s3], $0x80, v3, vm0, $0xb8;
	[tilespmem:$0x18C00] =	vst v63  }
0x113: {  	s20 =	simm.s32 $0xC400  }
0x114: {  	[tilespmem:s20], [sflag:$0x1] =	stream.indirect_vreg.gather [hbm4b:s7+s3], $0x80, v3, vm0, $0xb8;
	[tilespmem:$0x18C00] =	vst v63  }
0x115: {  	s20 =	simm.s32 $0xD400  }
.LBB2_4:
.Ltmp3:
0x116: {  	(pc) =	sbr.rel @p0 .LBB2_6-.Ltmp3, $4  }
0x117: {  	_ =	swait.ge [sflag:s13], $0xC000  }
0x118: {  	[sflag:s13] =	ssyncset.done $0x0  }
0x119: {  	s19 =	sadd.s32 $0x1800, s19;
	[sflag:s13] =	ssyncadd.s32 $0xFFFF4000  }
0x11a: {  	[hbm4b:s19+s3] =	stream.linear.scatter [tilespmem:s4], [sflag:$0x4], $0xC000, $0x38;
	[tilespmem:$0x18C00] =	vst v63  }
0x11b: {  	_ =	swait.ge [sflag:s16], $0xC000  }
0x11c: {  	[sflag:s16] =	ssyncset.done $0x0  }
0x11d: {  	[sflag:s16] =	ssyncadd.s32 $0xFFFF4000  }
0x11e: {  	v3 =	vld [tilespmem:s17+$0xFFFFFFD0];
	_ =	sdelay $0x4  }
0x11f: {  	v4 =	vshrl.u32 v3, $0x3  }
0x120: {  	v4 =	vmul.u32 $0x30, v4  }
0x121: {  	v3 =	vand.u32 $0x7, v3  }
0x122: {  	v3 =	vor.u32 v3, v4  }
0x123: {  	v4 =	vperm.xlane v3, v0;
	_ =	sdelay $0x1  }
0x124: {  	v4 =	vadd.s32 v1, v4;
	_ =	sdelay $0x3  }
0x125: {  	v3 =	vperm.xlane v3, v2  }
0x126: {  	[tilespmem:s4], [sflag:$0x2] =	stream.indirect_vreg.gather [hbm4b:s2+s3], $0x80, v4, vm0, $0xb8;
	[tilespmem:$0x18C00] =	vst v63  }
0x127: {  	v3 =	vadd.s32 v1, v3  }
0x128: {  	[tilespmem:s20], [sflag:$0x2] =	stream.indirect_vreg.gather [hbm4b:s6+s3], $0x80, v4, vm0, $0xb8;
	[tilespmem:$0x18C00] =	vst v63  }
0x129: {  	s19 =	simm.s32 $0xDC00  }
0x12a: {  	[tilespmem:s19], [sflag:$0x2] =	stream.indirect_vreg.gather [hbm4b:s7+s3], $0x80, v4, vm0, $0xb8;
	[tilespmem:$0x18C00] =	vst v63  }
0x12b: {  	s19 =	simm.s32 $0xE400  }
0x12c: {  	[tilespmem:s19], [sflag:$0x2] =	stream.indirect_vreg.gather [hbm4b:s2+s3], $0x80, v3, vm0, $0xb8;
	[tilespmem:$0x18C00] =	vst v63  }
0x12d: {  	s19 =	simm.s32 $0xEC00  }
0x12e: {  	[tilespmem:s19], [sflag:$0x2] =	stream.indirect_vreg.gather [hbm4b:s6+s3], $0x80, v3, vm0, $0xb8;
	[tilespmem:$0x18C00] =	vst v63  }
0x12f: {  	s19 =	simm.s32 $0xF400  }
0x130: {  	[tilespmem:s19], [sflag:$0x2] =	stream.indirect_vreg.gather [hbm4b:s7+s3], $0x80, v3, vm0, $0xb8;
	[tilespmem:$0x18C00] =	vst v63  }
0x131: {  	v3 =	vld [tilespmem:s17+$0xFFFFFFE0];
	_ =	sdelay $0x4  }
0x132: {  	v61 =	vshrl.u32 v3, $0x3  }
0x133: {  	v4 =	vmul.u32 $0x30, v61  }
0x134: {  	v3 =	vand.u32 $0x7, v3  }
0x135: {  	v3 =	vor.u32 v3, v4  }
0x136: {  	v4 =	vperm.xlane v3, v0;
	_ =	sdelay $0x1  }
0x137: {  	v4 =	vadd.s32 v1, v4;
	_ =	sdelay $0x3  }
0x138: {  	s19 =	simm.s32 $0xFC00;
	v3 =	vperm.xlane v3, v2  }
0x139: {  	[tilespmem:s19], [sflag:$0x2] =	stream.indirect_vreg.gather [hbm4b:s2+s3], $0x80, v4, vm0, $0xb8;
	[tilespmem:$0x18C00] =	vst v63  }
0x13a: {  	v3 =	vadd.s32 v1, v3;
	s19 =	simm.s32 $0x10400  }
0x13b: {  	[tilespmem:s19], [sflag:$0x2] =	stream.indirect_vreg.gather [hbm4b:s6+s3], $0x80, v4, vm0, $0xb8;
	[tilespmem:$0x18C00] =	vst v63  }
0x13c: {  	_ = 	snop  }
0x13d: {  	[tilespmem:s21], [sflag:$0x2] =	stream.indirect_vreg.gather [hbm4b:s7+s3], $0x80, v4, vm0, $0xb8;
	[tilespmem:$0x18C00] =	vst v63  }
0x13e: {  	_ = 	snop  }
0x13f: {  	[tilespmem:s22], [sflag:$0x2] =	stream.indirect_vreg.gather [hbm4b:s2+s3], $0x80, v3, vm0, $0xb8;
	[tilespmem:$0x18C00] =	vst v63  }
0x140: {  	_ = 	snop  }
0x141: {  	[tilespmem:s23], [sflag:$0x2] =	stream.indirect_vreg.gather [hbm4b:s6+s3], $0x80, v3, vm0, $0xb8;
	[tilespmem:$0x18C00] =	vst v63  }
0x142: {  	_ = 	snop  }
0x143: {  	[tilespmem:s24], [sflag:$0x2] =	stream.indirect_vreg.gather [hbm4b:s7+s3], $0x80, v3, vm0, $0xb8;
	[tilespmem:$0x18C00] =	vst v63  }
0x144: {  	v3 =	vld [tilespmem:s17+$0xFFFFFFF0];
	_ =	sdelay $0x4  }
0x145: {  	v62 =	vshrl.u32 v3, $0x3  }
0x146: {  	v4 =	vmul.u32 $0x30, v62  }
0x147: {  	v3 =	vand.u32 $0x7, v3  }
0x148: {  	v3 =	vor.u32 v3, v4  }
0x149: {  	v4 =	vperm.xlane v3, v0;
	_ =	sdelay $0x1  }
0x14a: {  	v4 =	vadd.s32 v1, v4;
	_ =	sdelay $0x3  }
0x14b: {  	v3 =	vperm.xlane v3, v2  }
0x14c: {  	[tilespmem:s25], [sflag:$0x2] =	stream.indirect_vreg.gather [hbm4b:s2+s3], $0x80, v4, vm0, $0xb8;
	[tilespmem:$0x18C00] =	vst v63  }
0x14d: {  	v3 =	vadd.s32 v1, v3  }
0x14e: {  	[tilespmem:s26], [sflag:$0x2] =	stream.indirect_vreg.gather [hbm4b:s6+s3], $0x80, v4, vm0, $0xb8;
	[tilespmem:$0x18C00] =	vst v63  }
0x14f: {  	_ = 	snop  }
0x150: {  	[tilespmem:s28], [sflag:$0x2] =	stream.indirect_vreg.gather [hbm4b:s7+s3], $0x80, v4, vm0, $0xb8;
	[tilespmem:$0x18C00] =	vst v63  }
0x151: {  	_ = 	snop  }
0x152: {  	[tilespmem:s29], [sflag:$0x2] =	stream.indirect_vreg.gather [hbm4b:s2+s3], $0x80, v3, vm0, $0xb8;
	[tilespmem:$0x18C00] =	vst v63  }
0x153: {  	_ = 	snop  }
0x154: {  	[tilespmem:s30], [sflag:$0x2] =	stream.indirect_vreg.gather [hbm4b:s6+s3], $0x80, v3, vm0, $0xb8;
	[tilespmem:$0x18C00] =	vst v63  }
0x155: {  	_ = 	snop  }
0x156: {  	[tilespmem:s31], [sflag:$0x2] =	stream.indirect_vreg.gather [hbm4b:s7+s3], $0x80, v3, vm0, $0xb8;
	[tilespmem:$0x18C00] =	vst v63  }
0x157: {  	v3 =	vld [tilespmem:s17+$0x0];
	_ =	sdelay $0x4  }
0x158: {  	v63 =	vshrl.u32 v3, $0x3  }
0x159: {  	v4 =	vmul.u32 $0x30, v63  }
0x15a: {  	v3 =	vand.u32 $0x7, v3  }
0x15b: {  	v3 =	vor.u32 v3, v4  }
0x15c: {  	v4 =	vperm.xlane v3, v0;
	_ =	sdelay $0x1  }
0x15d: {  	v4 =	vadd.s32 v1, v4;
	_ =	sdelay $0x3  }
0x15e: {  	v3 =	vperm.xlane v3, v2  }
0x15f: {  	[tilespmem:s0], [sflag:$0x2] =	stream.indirect_vreg.gather [hbm4b:s2+s3], $0x80, v4, vm0, $0xb8;
	[tilespmem:$0x18C00] =	vst v63  }
0x160: {  	v3 =	vadd.s32 v1, v3  }
0x161: {  	[tilespmem:s1], [sflag:$0x2] =	stream.indirect_vreg.gather [hbm4b:s6+s3], $0x80, v4, vm0, $0xb8;
	[tilespmem:$0x18C00] =	vst v63  }
0x162: {  	_ = 	snop  }
0x163: {  	[tilespmem:s10], [sflag:$0x2] =	stream.indirect_vreg.gather [hbm4b:s7+s3], $0x80, v4, vm0, $0xb8;
	[tilespmem:$0x18C00] =	vst v63  }
0x164: {  	_ = 	snop  }
0x165: {  	[tilespmem:s11], [sflag:$0x2] =	stream.indirect_vreg.gather [hbm4b:s2+s3], $0x80, v3, vm0, $0xb8;
	[tilespmem:$0x18C00] =	vst v63  }
.Ltmp4:
0x166: {  	_ = 	snop;
	(pc) =	sbr.rel .LBB2_2-.Ltmp4, $4  }
0x167: {  	_ = 	snop  }
0x168: {  	[tilespmem:s12], [sflag:$0x2] =	stream.indirect_vreg.gather [hbm4b:s6+s3], $0x80, v3, vm0, $0xb8;
	[tilespmem:$0x18C00] =	vst v63  }
0x169: {  	s18 =	sadd.s32 $0x60000, s18;
	s17 =	sadd.s32 $0x80, s17  }
0x16a: {  	[tilespmem:s5], [sflag:$0x2] =	stream.indirect_vreg.gather [hbm4b:s7+s3], $0x80, v3, vm0, $0xb8;
	[tilespmem:$0x18C00] =	vst v63  }
.LBB2_7:
0x16b: {  	_ =	sfence.sel $0x180000  }
0x16c: {  	[bflag:$0x0] =	sbarrier.arrive $0xFFFF  }
0x16d: {  	_ =	strace $0x90000047  }
0x16e: {  	s0 =	stileid.u32;
	[bflag:$0x2] =	sbarrier.arrive $0xFFFF  }
0x16f: {  	p0 =	sne.s32 s0, $0x0;
	s0 =	rddreg [dreg:$0x3]  }
0x170: {  	s0 =	sadd.s32 @!p0 $0x100000, s0  }
0x171: {  	[sflag:s0] =	ssyncadd.tile.s32 @!p0 $0x1;
	_ =	shalt  }
.Lfunc_end2:
_tile_overlayer_lowered:
.L_overlay_start_2:
0x172: {  	(tag) =	ssettag $0x2  }
0x173: {  	s0 =	rddreg [dreg:$0x0];
	s2 =	stileid.u32  }
0x174: {  	s1 =	rddreg [dreg:$0x1];
	p0 =	sne.s32 s2, $0x0  }
0x175: {  	s3 =	rddreg [dreg:$0x2];
	[bflag:$0x3] =	sbarrier.arrive $0xFFFF;
	s2 =	simm.s32 @!p0 $0x1C05  }
0x176: {  	[timem:s3], [sflag:s2] =	dma.local @!p0 [hbm:s0], s1  }
0x177: {  	s0 =	simm.s32 @!p0 $0x5  }
0x178: {  	_ =	swait.ge @!p0 [sflag:s0], s1  }
0x179: {  	s1 =	ssub.s32 @!p0 $0x0, s1;
	[sflag:s0] =	ssyncset.done @!p0 $0x0  }
0x17a: {  	[sflag:s0] =	ssyncadd.s32 @!p0 s1  }
0x17b: {  	[bflag:$0x3] =	sbarrier.arrive $0xFFFF  }
0x17c: {  	_ =	shalt  }

</sc_bundles>
